<compile_context>
chip_gen: v7x
topology: tpu7x:2x2x1
jax: 0.10.2.dev20260603
libtpu: 0.0.44.dev20260713+nightly
codegen_flags: <defaults>
</compile_context>

<pallas_src>
import functools

import jax
import jax.numpy as jnp
from jax import lax
from jax.experimental import pallas as pl
from jax.experimental.pallas import tpu as pltpu
from jax.experimental.pallas import tpu_sc as plsc

NUM_Q = 100000
EMB = 64
HID = 128
B = 4096
L = 50
TOKENS = B * L
BLK_ROWS = 14336
N_BLK = 7
PAD_ROWS = N_BLK * BLK_ROWS

NC = 2
NS = 16
NW = NC * NS
RPW = L


def _tables_body(ut_ref, vt_ref, tw1_ref, bw1_ref, aux_ref,
                 tb2_ref, tw3_ref, tb3_ref, bb2_ref, bw3_ref, bb3_ref,
                 tout_ref, bout_ref):
    dn = (((0,), (0,)), ((), ()))
    tb1c = aux_ref[:, 0:1]
    w2c = aux_ref[:, 1:2]
    bb1c = aux_ref[:, 2:3]
    bw2c = aux_ref[:, 3:4]

    u = ut_ref[...]
    t1 = jnp.tanh(lax.dot_general(tw1_ref[...], u, dn,
                                  preferred_element_type=jnp.float32)
                  + tb1c)
    t2 = jnp.tanh(jnp.sum(t1 * w2c, axis=0) + tb2_ref[0])
    theta = t2 * tw3_ref[0] + tb3_ref[0]
    tout_ref[...] = theta.reshape(BLK_ROWS // 128, 128)

    v = vt_ref[...]
    b1 = jnp.tanh(lax.dot_general(bw1_ref[...], v, dn,
                                  preferred_element_type=jnp.float32)
                  + bb1c)
    b2 = jnp.tanh(jnp.sum(b1 * bw2c, axis=0) + bb2_ref[0])
    beta = b2 * bw3_ref[0] + bb3_ref[0]
    bout_ref[...] = beta.reshape(BLK_ROWS // 128, 128)


def _compute_tables(ut, vt, tw1, bw1, aux,
                    tb2, tw3, tb3, bb2, bw3, bb3, interpret=False):
    zero = lambda i: (0, 0)
    smem = pl.BlockSpec(memory_space=pltpu.SMEM)
    return pl.pallas_call(
        _tables_body,
        grid=(N_BLK,),
        in_specs=[
            pl.BlockSpec((EMB, BLK_ROWS), lambda i: (0, i)),
            pl.BlockSpec((EMB, BLK_ROWS), lambda i: (0, i)),
            pl.BlockSpec((EMB, HID), zero),
            pl.BlockSpec((EMB, HID), zero),
            pl.BlockSpec((HID, 4), zero),
            smem, smem, smem, smem, smem, smem,
        ],
        out_specs=[pl.BlockSpec((BLK_ROWS // 128, 128), lambda i: (i, 0)),
                   pl.BlockSpec((BLK_ROWS // 128, 128), lambda i: (i, 0))],
        out_shape=[jax.ShapeDtypeStruct((PAD_ROWS // 128, 128), jnp.float32),
                   jax.ShapeDtypeStruct((PAD_ROWS // 128, 128), jnp.float32)],
        interpret=interpret,
    )(ut, vt, tw1, bw1, aux, tb2, tw3, tb3, bb2, bw3, bb3)


@functools.cache
def _gather_scalars_kernel():
    @functools.partial(
        pl.kernel,
        out_type=[jax.ShapeDtypeStruct((L, B), jnp.float32),
                  jax.ShapeDtypeStruct((L, B), jnp.float32)],
        mesh=plsc.VectorSubcoreMesh(core_axis_name="c", subcore_axis_name="s",
                                    num_cores=NC, num_subcores=NS),
        scratch_types=[
            pltpu.VMEM((RPW, 128), jnp.int32),
            pltpu.VMEM((RPW, 128), jnp.int32),
            pltpu.VMEM((RPW, 128), jnp.float32),
            pltpu.VMEM((RPW, 128), jnp.float32),
            pltpu.SemaphoreType.DMA,
            pltpu.SemaphoreType.DMA,
        ],
    )
    def _gather_scalars(ttab, btab, qt, bt, tg, bg,
                        qi_v, bi_v, rt_v, rb_v, s1, s2):
        wid = lax.axis_index("s") * NC + lax.axis_index("c")
        col = wid * 128
        pltpu.sync_copy(qt.at[:, pl.ds(col, 128)], qi_v)
        pltpu.sync_copy(bt.at[:, pl.ds(col, 128)], bi_v)

        def fire(j, carry):
            pltpu.async_copy(ttab.at[qi_v.at[j]], rt_v.at[j], s1)
            pltpu.async_copy(btab.at[bi_v.at[j]], rb_v.at[j], s2)
            return carry

        lax.fori_loop(0, RPW, fire, 0)

        def drain(j, carry):
            pltpu.make_async_copy(ttab.at[qi_v.at[j]], rt_v.at[j], s1).wait()
            pltpu.make_async_copy(btab.at[bi_v.at[j]], rb_v.at[j], s2).wait()
            return carry

        lax.fori_loop(0, RPW, drain, 0)
        pltpu.sync_copy(rt_v, tg.at[:, pl.ds(col, 128)])
        pltpu.sync_copy(rb_v, bg.at[:, pl.ds(col, 128)])

    return _gather_scalars


def _softmax_body(hw_ref, hb_ref, tg_ref, bg_ref, o_ref):
    d = (tg_ref[...] - bg_ref[...]) * hw_ref[0] + hb_ref[0]
    m = jnp.max(d, axis=0, keepdims=True)
    e = jnp.exp(d - m)
    o_ref[...] = e / jnp.sum(e, axis=0, keepdims=True)


def _softmax(hw, hb, tg, bg, interpret=False):
    smem = pl.BlockSpec(memory_space=pltpu.SMEM)
    return pl.pallas_call(
        _softmax_body,
        grid=(8,),
        in_specs=[
            smem, smem,
            pl.BlockSpec((L, B // 8), lambda i: (0, i)),
            pl.BlockSpec((L, B // 8), lambda i: (0, i)),
        ],
        out_specs=pl.BlockSpec((L, B // 8), lambda i: (0, i)),
        out_shape=jax.ShapeDtypeStruct((L, B), jnp.float32),
        interpret=interpret,
    )(hw, hb, tg, bg)


def kernel(q, r, user_emb, item_emb, tW1, tb1, tW2, tb2, tW3, tb3,
           bW1, bb1, bW2, bb2, bW3, bb3, hW, hb):
    aux = jnp.stack([tb1, tW2[:, 0], bb1, bW2[:, 0]], axis=1)
    ttab2d, btab2d = _compute_tables(
        user_emb.T, item_emb.T, tW1, bW1, aux,
        tb2.reshape(-1), tW3.reshape(-1), tb3.reshape(-1),
        bb2.reshape(-1), bW3.reshape(-1), bb3.reshape(-1))

    qt = q.astype(jnp.int32).T
    bt = qt + r.astype(jnp.int32).T
    tg, bg = _gather_scalars_kernel()(ttab2d.reshape(-1), btab2d.reshape(-1),
                                      qt, bt)

    sm = _softmax(hW.reshape(-1), hb.reshape(-1), tg, bg)
    return sm.T

# --- scband reference (transcript-rebuilt; emitter-appended) ---
"""Pipeline reference for scband-deep-irt-72653666779498 (READ-ONLY COPY).

The authoritative reference and input builder live on the scoring server;
editing this copy changes nothing except your own understanding.
"""

import jax, jax.numpy as jnp
import numpy as np

NUM_Q = 100000
NUM_U = 10
EMB = 64
HID = 128
B = 4096
L = 50


def setup_inputs(seed: int = 0) -> dict:
    key = jax.random.key(seed)
    ks = jax.random.split(key, 20)
    q = jax.random.randint(ks[0], (B, L), 0, NUM_Q - 1, dtype=jnp.int64 if jax.config.jax_enable_x64 else jnp.int32)
    r = jax.random.randint(ks[1], (B, L), 0, 2, dtype=jnp.int64 if jax.config.jax_enable_x64 else jnp.int32)
    user_emb = jax.random.normal(ks[2], (NUM_Q * NUM_U, EMB), dtype=jnp.float32) * 0.05
    item_emb = jax.random.normal(ks[3], (2 * NUM_Q, EMB), dtype=jnp.float32) * 0.05
    s1 = 1.0 / np.sqrt(EMB)
    s2 = 1.0 / np.sqrt(HID)
    tW1 = jax.random.uniform(ks[4], (EMB, HID), jnp.float32, -s1, s1)
    tb1 = jax.random.uniform(ks[5], (HID,), jnp.float32, -s1, s1)
    tW2 = jax.random.uniform(ks[6], (HID, 1), jnp.float32, -s2, s2)
    tb2 = jax.random.uniform(ks[7], (1,), jnp.float32, -s2, s2)
    tW3 = jax.random.uniform(ks[8], (1, 1), jnp.float32, -1.0, 1.0)
    tb3 = jax.random.uniform(ks[9], (1,), jnp.float32, -1.0, 1.0)
    bW1 = jax.random.uniform(ks[10], (EMB, HID), jnp.float32, -s1, s1)
    bb1 = jax.random.uniform(ks[11], (HID,), jnp.float32, -s1, s1)
    bW2 = jax.random.uniform(ks[12], (HID, 1), jnp.float32, -s2, s2)
    bb2 = jax.random.uniform(ks[13], (1,), jnp.float32, -s2, s2)
    bW3 = jax.random.uniform(ks[14], (1, 1), jnp.float32, -1.0, 1.0)
    bb3 = jax.random.uniform(ks[15], (1,), jnp.float32, -1.0, 1.0)
    hW = jax.random.uniform(ks[16], (1, 1), jnp.float32, -1.0, 1.0)
    hb = jax.random.uniform(ks[17], (1,), jnp.float32, -1.0, 1.0)
    return {"q": q, "r": r, "user_emb": user_emb, "item_emb": item_emb,
            "tW1": tW1, "tb1": tb1, "tW2": tW2, "tb2": tb2, "tW3": tW3, "tb3": tb3,
            "bW1": bW1, "bb1": bb1, "bW2": bW2, "bb2": bb2, "bW3": bW3, "bb3": bb3,
            "hW": hW, "hb": hb}


def reference(q, r, user_emb, item_emb, tW1, tb1, tW2, tb2, tW3, tb3,
              bW1, bb1, bW2, bb2, bW3, bb3, hW, hb):
    emb_user = jnp.take(user_emb, q, axis=0)              # [B, L, EMB] gather
    emb_item = jnp.take(item_emb, q + r, axis=0)           # [B, L, EMB] gather
    t1 = jnp.tanh(emb_user @ tW1 + tb1)
    t2 = jnp.tanh(t1 @ tW2 + tb2)
    theta = t2 @ tW3 + tb3
    b1 = jnp.tanh(emb_item @ bW1 + bb1)
    b2 = jnp.tanh(b1 @ bW2 + bb2)
    beta = b2 @ bW3 + bb3
    h = (theta - beta) @ hW + hb                           # [B, L, 1]
    return jax.nn.softmax(jnp.squeeze(h, -1), axis=1)      # [B, L]

if __name__ == "__main__":
    import jax
    _d = setup_inputs()
    print(jax.jit(kernel)(*tuple(_d.values())))

</pallas_src>

<mosaic_0001>
#map = affine_map<(d0, d1) -> (0)>
#map1 = affine_map<(d0, d1) -> (0, 0)>
module attributes {stable_mosaic.version = 14 : i64} {
  func.func @_gather_scalars(%arg0: i32, %arg1: i32, %arg2: memref<100352xf32, #tpu.memory_space<hbm>>, %arg3: memref<100352xf32, #tpu.memory_space<hbm>>, %arg4: memref<50x4096xi32, #tpu.memory_space<hbm>>, %arg5: memref<50x4096xi32, #tpu.memory_space<hbm>>, %arg6: memref<50x4096xf32, #tpu.memory_space<hbm>>, %arg7: memref<50x4096xf32, #tpu.memory_space<hbm>>, %arg8: memref<50x128xi32, #tpu.memory_space<vmem>>, %arg9: memref<50x128xi32, #tpu.memory_space<vmem>>, %arg10: memref<50x128xf32, #tpu.memory_space<vmem>>, %arg11: memref<50x128xf32, #tpu.memory_space<vmem>>, %arg12: memref<!tpu.dma_semaphore, #tpu.memory_space<semaphore_mem>>, %arg13: memref<!tpu.dma_semaphore, #tpu.memory_space<semaphore_mem>>) attributes {dimension_semantics = [#tpu.dimension_semantics<core_parallel>, #tpu.dimension_semantics<subcore_parallel>], iteration_bounds = array<i64: 2, 16>, scalar_prefetch = 0 : i64, scratch_operands = 6 : i64, tpu.core_type = #tpu.core_type<sc_vector_subcore>, window_params = [{transform_indices = #map}, {transform_indices = #map}, {transform_indices = #map1}, {transform_indices = #map1}, {transform_indices = #map1}, {transform_indices = #map1}]} {
    %mul3A = arith.constant 2 : i32
    %mul3A_0 = arith.muli %arg1, %mul3A : i32
    %add3A = arith.addi %mul3A_0, %arg0 : i32
    %mul3A_1 = arith.constant 128 : i32
    %mul3A_2 = arith.muli %add3A, %mul3A_1 : i32
    "tpu.region"() ({
      %run_scoped3A = tpu.sem_alloc : memref<!tpu.dma_semaphore, #tpu.memory_space<semaphore_mem>>
      %dma_start3A = arith.constant 0 : i32
      %dma_start3A_14 = tpu.memref_slice %arg4[%dma_start3A, %mul3A_2] : memref<50x4096xi32, #tpu.memory_space<hbm>> -> memref<50x128xi32, #tpu.memory_space<hbm>>
      %dma_start3A_15 = arith.constant 0 : i32
      %dma_start3A_16 = tpu.memref_slice %arg4[%dma_start3A_15, %mul3A_2] : memref<50x4096xi32, #tpu.memory_space<hbm>> -> memref<50x128xi32, #tpu.memory_space<hbm>>
      tpu.enqueue_dma source(%dma_start3A_16 : memref<50x128xi32, #tpu.memory_space<hbm>>) target(%arg8 : memref<50x128xi32, #tpu.memory_space<vmem>>) target_semaphore(%run_scoped3A : memref<!tpu.dma_semaphore, #tpu.memory_space<semaphore_mem>>)
      %dma_wait3A = arith.constant 0 : i32
      %dma_wait3A_17 = tpu.memref_slice %arg4[%dma_wait3A, %mul3A_2] : memref<50x4096xi32, #tpu.memory_space<hbm>> -> memref<50x128xi32, #tpu.memory_space<hbm>>
      %dma_wait3A_18 = arith.constant 0 : i32
      %dma_wait3A_19 = tpu.memref_slice %arg4[%dma_wait3A_18, %mul3A_2] : memref<50x4096xi32, #tpu.memory_space<hbm>> -> memref<50x128xi32, #tpu.memory_space<hbm>>
      tpu.wait_dma2 semaphore(%run_scoped3A : memref<!tpu.dma_semaphore, #tpu.memory_space<semaphore_mem>>) src(%dma_wait3A_19 : memref<50x128xi32, #tpu.memory_space<hbm>>) dst(%arg8 : memref<50x128xi32, #tpu.memory_space<vmem>>)
      tpu.yield
    }) : () -> ()
    "tpu.region"() ({
      %run_scoped3A = tpu.sem_alloc : memref<!tpu.dma_semaphore, #tpu.memory_space<semaphore_mem>>
      %dma_start3A = arith.constant 0 : i32
      %dma_start3A_14 = tpu.memref_slice %arg5[%dma_start3A, %mul3A_2] : memref<50x4096xi32, #tpu.memory_space<hbm>> -> memref<50x128xi32, #tpu.memory_space<hbm>>
      %dma_start3A_15 = arith.constant 0 : i32
      %dma_start3A_16 = tpu.memref_slice %arg5[%dma_start3A_15, %mul3A_2] : memref<50x4096xi32, #tpu.memory_space<hbm>> -> memref<50x128xi32, #tpu.memory_space<hbm>>
      tpu.enqueue_dma source(%dma_start3A_16 : memref<50x128xi32, #tpu.memory_space<hbm>>) target(%arg9 : memref<50x128xi32, #tpu.memory_space<vmem>>) target_semaphore(%run_scoped3A : memref<!tpu.dma_semaphore, #tpu.memory_space<semaphore_mem>>)
      %dma_wait3A = arith.constant 0 : i32
      %dma_wait3A_17 = tpu.memref_slice %arg5[%dma_wait3A, %mul3A_2] : memref<50x4096xi32, #tpu.memory_space<hbm>> -> memref<50x128xi32, #tpu.memory_space<hbm>>
      %dma_wait3A_18 = arith.constant 0 : i32
      %dma_wait3A_19 = tpu.memref_slice %arg5[%dma_wait3A_18, %mul3A_2] : memref<50x4096xi32, #tpu.memory_space<hbm>> -> memref<50x128xi32, #tpu.memory_space<hbm>>
      tpu.wait_dma2 semaphore(%run_scoped3A : memref<!tpu.dma_semaphore, #tpu.memory_space<semaphore_mem>>) src(%dma_wait3A_19 : memref<50x128xi32, #tpu.memory_space<hbm>>) dst(%arg9 : memref<50x128xi32, #tpu.memory_space<vmem>>)
      tpu.yield
    }) : () -> ()
    %scan3A = arith.constant 0 : i32
    %scan3A_3 = arith.constant 0 : i32
    %scan3A_4 = arith.constant 50 : i32
    %scan3A_5 = arith.addi %scan3A_3, %scan3A_4 : i32
    %scan3A_6 = arith.constant 1 : i32
    scf.for %scan3A_14 = %scan3A_3 to %scan3A_5 step %scan3A_6  : i32 {
      %dma_start3A = arith.constant 0 : i32
      %dma_start3A_15 = tpu.memref_slice %arg10[%scan3A_14, %dma_start3A] : memref<50x128xf32, #tpu.memory_space<vmem>> -> memref<1x128xf32, #tpu.memory_space<vmem>>
      %dma_start3A_16 = tpu.memref_squeeze %dma_start3A_15 : memref<1x128xf32, #tpu.memory_space<vmem>> -> memref<128xf32, #tpu.memory_space<vmem>>
      %dma_start3A_17 = arith.constant 0 : i32
      %dma_start3A_18 = tpu.memref_slice %arg8[%scan3A_14, %dma_start3A_17] : memref<50x128xi32, #tpu.memory_space<vmem>> -> memref<1x128xi32, #tpu.memory_space<vmem>>
      %dma_start3A_19 = tpu.memref_squeeze %dma_start3A_18 : memref<1x128xi32, #tpu.memory_space<vmem>> -> memref<128xi32, #tpu.memory_space<vmem>>
      %dma_start3A_20 = arith.constant 0 : i32
      %dma_start3A_21 = tpu.memref_slice %arg2[%dma_start3A_20] : memref<100352xf32, #tpu.memory_space<hbm>> -> memref<100352xf32, #tpu.memory_space<hbm>>
      tpu.enqueue_indirect_dma source(%dma_start3A_21 : memref<100352xf32, #tpu.memory_space<hbm>>) target(%dma_start3A_16 : memref<128xf32, #tpu.memory_space<vmem>>) offsets(%dma_start3A_19 : memref<128xi32, #tpu.memory_space<vmem>>) semaphore(%arg12 : memref<!tpu.dma_semaphore, #tpu.memory_space<semaphore_mem>>)
      %dma_start3A_22 = arith.constant 0 : i32
      %dma_start3A_23 = tpu.memref_slice %arg11[%scan3A_14, %dma_start3A_22] : memref<50x128xf32, #tpu.memory_space<vmem>> -> memref<1x128xf32, #tpu.memory_space<vmem>>
      %dma_start3A_24 = tpu.memref_squeeze %dma_start3A_23 : memref<1x128xf32, #tpu.memory_space<vmem>> -> memref<128xf32, #tpu.memory_space<vmem>>
      %dma_start3A_25 = arith.constant 0 : i32
      %dma_start3A_26 = tpu.memref_slice %arg9[%scan3A_14, %dma_start3A_25] : memref<50x128xi32, #tpu.memory_space<vmem>> -> memref<1x128xi32, #tpu.memory_space<vmem>>
      %dma_start3A_27 = tpu.memref_squeeze %dma_start3A_26 : memref<1x128xi32, #tpu.memory_space<vmem>> -> memref<128xi32, #tpu.memory_space<vmem>>
      %dma_start3A_28 = arith.constant 0 : i32
      %dma_start3A_29 = tpu.memref_slice %arg3[%dma_start3A_28] : memref<100352xf32, #tpu.memory_space<hbm>> -> memref<100352xf32, #tpu.memory_space<hbm>>
      tpu.enqueue_indirect_dma source(%dma_start3A_29 : memref<100352xf32, #tpu.memory_space<hbm>>) target(%dma_start3A_24 : memref<128xf32, #tpu.memory_space<vmem>>) offsets(%dma_start3A_27 : memref<128xi32, #tpu.memory_space<vmem>>) semaphore(%arg13 : memref<!tpu.dma_semaphore, #tpu.memory_space<semaphore_mem>>)
    }
    %scan3A_7 = arith.constant 50 : i32
    %scan3A_8 = arith.constant 0 : i32
    %scan3A_9 = arith.constant 0 : i32
    %scan3A_10 = arith.constant 50 : i32
    %scan3A_11 = arith.addi %scan3A_9, %scan3A_10 : i32
    %scan3A_12 = arith.constant 1 : i32
    scf.for %scan3A_14 = %scan3A_9 to %scan3A_11 step %scan3A_12  : i32 {
      %dma_wait3A = arith.constant 0 : i32
      %dma_wait3A_15 = tpu.memref_slice %arg10[%scan3A_14, %dma_wait3A] : memref<50x128xf32, #tpu.memory_space<vmem>> -> memref<1x128xf32, #tpu.memory_space<vmem>>
      %dma_wait3A_16 = tpu.memref_squeeze %dma_wait3A_15 : memref<1x128xf32, #tpu.memory_space<vmem>> -> memref<128xf32, #tpu.memory_space<vmem>>
      %dma_wait3A_17 = arith.constant 0 : i32
      %dma_wait3A_18 = tpu.memref_slice %arg8[%scan3A_14, %dma_wait3A_17] : memref<50x128xi32, #tpu.memory_space<vmem>> -> memref<1x128xi32, #tpu.memory_space<vmem>>
      %dma_wait3A_19 = tpu.memref_squeeze %dma_wait3A_18 : memref<1x128xi32, #tpu.memory_space<vmem>> -> memref<128xi32, #tpu.memory_space<vmem>>
      %dma_wait3A_20 = arith.constant 0 : i32
      %dma_wait3A_21 = tpu.memref_slice %arg2[%dma_wait3A_20] : memref<100352xf32, #tpu.memory_space<hbm>> -> memref<100352xf32, #tpu.memory_space<hbm>>
      tpu.wait_indirect_dma semaphore(%arg12 : memref<!tpu.dma_semaphore, #tpu.memory_space<semaphore_mem>>) src(%dma_wait3A_21 : memref<100352xf32, #tpu.memory_space<hbm>>) dst(%dma_wait3A_16 : memref<128xf32, #tpu.memory_space<vmem>>)
      %dma_wait3A_22 = arith.constant 0 : i32
      %dma_wait3A_23 = tpu.memref_slice %arg11[%scan3A_14, %dma_wait3A_22] : memref<50x128xf32, #tpu.memory_space<vmem>> -> memref<1x128xf32, #tpu.memory_space<vmem>>
      %dma_wait3A_24 = tpu.memref_squeeze %dma_wait3A_23 : memref<1x128xf32, #tpu.memory_space<vmem>> -> memref<128xf32, #tpu.memory_space<vmem>>
      %dma_wait3A_25 = arith.constant 0 : i32
      %dma_wait3A_26 = tpu.memref_slice %arg9[%scan3A_14, %dma_wait3A_25] : memref<50x128xi32, #tpu.memory_space<vmem>> -> memref<1x128xi32, #tpu.memory_space<vmem>>
      %dma_wait3A_27 = tpu.memref_squeeze %dma_wait3A_26 : memref<1x128xi32, #tpu.memory_space<vmem>> -> memref<128xi32, #tpu.memory_space<vmem>>
      %dma_wait3A_28 = arith.constant 0 : i32
      %dma_wait3A_29 = tpu.memref_slice %arg3[%dma_wait3A_28] : memref<100352xf32, #tpu.memory_space<hbm>> -> memref<100352xf32, #tpu.memory_space<hbm>>
      tpu.wait_indirect_dma semaphore(%arg13 : memref<!tpu.dma_semaphore, #tpu.memory_space<semaphore_mem>>) src(%dma_wait3A_29 : memref<100352xf32, #tpu.memory_space<hbm>>) dst(%dma_wait3A_24 : memref<128xf32, #tpu.memory_space<vmem>>)
    }
    %scan3A_13 = arith.constant 50 : i32
    "tpu.region"() ({
      %run_scoped3A = tpu.sem_alloc : memref<!tpu.dma_semaphore, #tpu.memory_space<semaphore_mem>>
      %dma_start3A = arith.constant 0 : i32
      %dma_start3A_14 = tpu.memref_slice %arg6[%dma_start3A, %mul3A_2] : memref<50x4096xf32, #tpu.memory_space<hbm>> -> memref<50x128xf32, #tpu.memory_space<hbm>>
      %dma_start3A_15 = arith.constant 0 : i32
      %dma_start3A_16 = tpu.memref_slice %arg6[%dma_start3A_15, %mul3A_2] : memref<50x4096xf32, #tpu.memory_space<hbm>> -> memref<50x128xf32, #tpu.memory_space<hbm>>
      tpu.enqueue_dma source(%arg10 : memref<50x128xf32, #tpu.memory_space<vmem>>) target(%dma_start3A_16 : memref<50x128xf32, #tpu.memory_space<hbm>>) target_semaphore(%run_scoped3A : memref<!tpu.dma_semaphore, #tpu.memory_space<semaphore_mem>>)
      %dma_wait3A = arith.constant 0 : i32
      %dma_wait3A_17 = tpu.memref_slice %arg6[%dma_wait3A, %mul3A_2] : memref<50x4096xf32, #tpu.memory_space<hbm>> -> memref<50x128xf32, #tpu.memory_space<hbm>>
      %dma_wait3A_18 = arith.constant 0 : i32
      %dma_wait3A_19 = tpu.memref_slice %arg6[%dma_wait3A_18, %mul3A_2] : memref<50x4096xf32, #tpu.memory_space<hbm>> -> memref<50x128xf32, #tpu.memory_space<hbm>>
      tpu.wait_dma2 semaphore(%run_scoped3A : memref<!tpu.dma_semaphore, #tpu.memory_space<semaphore_mem>>) src(%arg10 : memref<50x128xf32, #tpu.memory_space<vmem>>) dst(%dma_wait3A_19 : memref<50x128xf32, #tpu.memory_space<hbm>>)
      tpu.yield
    }) : () -> ()
    "tpu.region"() ({
      %run_scoped3A = tpu.sem_alloc : memref<!tpu.dma_semaphore, #tpu.memory_space<semaphore_mem>>
      %dma_start3A = arith.constant 0 : i32
      %dma_start3A_14 = tpu.memref_slice %arg7[%dma_start3A, %mul3A_2] : memref<50x4096xf32, #tpu.memory_space<hbm>> -> memref<50x128xf32, #tpu.memory_space<hbm>>
      %dma_start3A_15 = arith.constant 0 : i32
      %dma_start3A_16 = tpu.memref_slice %arg7[%dma_start3A_15, %mul3A_2] : memref<50x4096xf32, #tpu.memory_space<hbm>> -> memref<50x128xf32, #tpu.memory_space<hbm>>
      tpu.enqueue_dma source(%arg11 : memref<50x128xf32, #tpu.memory_space<vmem>>) target(%dma_start3A_16 : memref<50x128xf32, #tpu.memory_space<hbm>>) target_semaphore(%run_scoped3A : memref<!tpu.dma_semaphore, #tpu.memory_space<semaphore_mem>>)
      %dma_wait3A = arith.constant 0 : i32
      %dma_wait3A_17 = tpu.memref_slice %arg7[%dma_wait3A, %mul3A_2] : memref<50x4096xf32, #tpu.memory_space<hbm>> -> memref<50x128xf32, #tpu.memory_space<hbm>>
      %dma_wait3A_18 = arith.constant 0 : i32
      %dma_wait3A_19 = tpu.memref_slice %arg7[%dma_wait3A_18, %mul3A_2] : memref<50x4096xf32, #tpu.memory_space<hbm>> -> memref<50x128xf32, #tpu.memory_space<hbm>>
      tpu.wait_dma2 semaphore(%run_scoped3A : memref<!tpu.dma_semaphore, #tpu.memory_space<semaphore_mem>>) src(%arg11 : memref<50x128xf32, #tpu.memory_space<vmem>>) dst(%dma_wait3A_19 : memref<50x128xf32, #tpu.memory_space<hbm>>)
      tpu.yield
    }) : () -> ()
    return
  }
}

module attributes {stable_mosaic.version = 14 : i64} {
  func.func @_tables_body(%arg0: i32, %arg1: memref<64x14336xf32, #tpu.memory_space<vmem>>, %arg2: memref<64x14336xf32, #tpu.memory_space<vmem>>, %arg3: memref<64x128xf32, #tpu.memory_space<vmem>>, %arg4: memref<64x128xf32, #tpu.memory_space<vmem>>, %arg5: memref<128x4xf32, #tpu.memory_space<vmem>>, %arg6: memref<1xf32, #tpu.memory_space<smem>>, %arg7: memref<1xf32, #tpu.memory_space<smem>>, %arg8: memref<1xf32, #tpu.memory_space<smem>>, %arg9: memref<1xf32, #tpu.memory_space<smem>>, %arg10: memref<1xf32, #tpu.memory_space<smem>>, %arg11: memref<1xf32, #tpu.memory_space<smem>>, %arg12: memref<112x128xf32, #tpu.memory_space<vmem>>, %arg13: memref<112x128xf32, #tpu.memory_space<vmem>>) attributes {dimension_semantics = [#tpu.dimension_semantics<arbitrary>], iteration_bounds = array<i64: 7>, scalar_prefetch = 0 : i64, scratch_operands = 0 : i64, tpu.core_type = #tpu.core_type<tc>, window_params = [{transform_indices = @transform_0, window_bounds = array<i64: 64, 14336>}, {transform_indices = @transform_1, window_bounds = array<i64: 64, 14336>}, {pipeline_mode = #tpu.pipeline_mode<synchronous>, transform_indices = @transform_2, window_bounds = array<i64: 64, 128>}, {pipeline_mode = #tpu.pipeline_mode<synchronous>, transform_indices = @transform_3, window_bounds = array<i64: 64, 128>}, {pipeline_mode = #tpu.pipeline_mode<synchronous>, transform_indices = @transform_4, window_bounds = array<i64: 128, 4>}, {transform_indices = @transform_5, window_bounds = array<i64: 1>}, {transform_indices = @transform_6, window_bounds = array<i64: 1>}, {transform_indices = @transform_7, window_bounds = array<i64: 1>}, {transform_indices = @transform_8, window_bounds = array<i64: 1>}, {transform_indices = @transform_9, window_bounds = array<i64: 1>}, {transform_indices = @transform_10, window_bounds = array<i64: 1>}, {transform_indices = @transform_11, window_bounds = array<i64: 112, 128>}, {transform_indices = @transform_12, window_bounds = array<i64: 112, 128>}]} {
    %get3A = arith.constant 0 : index
    %get3A_0 = arith.constant 0 : index
    %get3A_1 = vector.load %arg5[%get3A, %get3A_0] : memref<128x4xf32, #tpu.memory_space<vmem>>, vector<128x1xf32>
    %get3A_2 = arith.constant 0 : index
    %get3A_3 = arith.constant 1 : index
    %get3A_4 = vector.load %arg5[%get3A_2, %get3A_3] : memref<128x4xf32, #tpu.memory_space<vmem>>, vector<128x1xf32>
    %get3A_5 = arith.constant 0 : index
    %get3A_6 = arith.constant 2 : index
    %get3A_7 = vector.load %arg5[%get3A_5, %get3A_6] : memref<128x4xf32, #tpu.memory_space<vmem>>, vector<128x1xf32>
    %get3A_8 = arith.constant 0 : index
    %get3A_9 = arith.constant 3 : index
    %get3A_10 = vector.load %arg5[%get3A_8, %get3A_9] : memref<128x4xf32, #tpu.memory_space<vmem>>, vector<128x1xf32>
    %get3A_11 = arith.constant 0 : index
    %get3A_12 = arith.constant 0 : index
    %get3A_13 = vector.load %arg1[%get3A_11, %get3A_12] : memref<64x14336xf32, #tpu.memory_space<vmem>>, vector<64x14336xf32>
    %get3A_14 = arith.constant 0 : index
    %get3A_15 = arith.constant 0 : index
    %get3A_16 = vector.load %arg3[%get3A_14, %get3A_15] : memref<64x128xf32, #tpu.memory_space<vmem>>, vector<64x128xf32>
    %dot_general3A = arith.constant dense<0.000000e+00> : vector<128x14336xf32>
    %dot_general3A_17 = tpu.matmul %get3A_16, %get3A_13, %dot_general3A {dimension_numbers = #tpu.dot_dimension_numbers<[0], [0], [1], [1], [0, 1, 1, 1], [], []>, transpose_lhs_hint = false} : vector<64x128xf32>, vector<64x14336xf32>, vector<128x14336xf32> -> vector<128x14336xf32>
    %add3A = vector.broadcast %get3A_1 : vector<128x1xf32> to vector<128x14336xf32>
    %add3A_18 = arith.addf %dot_general3A_17, %add3A : vector<128x14336xf32>
    %tanh3A = math.tanh %add3A_18 : vector<128x14336xf32>
    %mul3A = vector.broadcast %get3A_4 : vector<128x1xf32> to vector<128x14336xf32>
    %mul3A_19 = arith.mulf %tanh3A, %mul3A : vector<128x14336xf32>
    %reduce_sum3A = arith.constant dense<0.000000e+00> : vector<14336xf32>
    %reduce_sum3A_20 = vector.multi_reduction <add>, %mul3A_19, %reduce_sum3A [0] : vector<128x14336xf32> to vector<14336xf32>
    %get3A_21 = arith.constant 0 : index
    %get3A_22 = memref.load %arg6[%get3A_21] : memref<1xf32, #tpu.memory_space<smem>>
    %add3A_23 = vector.broadcast %get3A_22 : f32 to vector<14336xf32>
    %add3A_24 = arith.addf %reduce_sum3A_20, %add3A_23 : vector<14336xf32>
    %tanh3A_25 = math.tanh %add3A_24 : vector<14336xf32>
    %get3A_26 = arith.constant 0 : index
    %get3A_27 = memref.load %arg7[%get3A_26] : memref<1xf32, #tpu.memory_space<smem>>
    %mul3A_28 = vector.broadcast %get3A_27 : f32 to vector<14336xf32>
    %mul3A_29 = arith.mulf %tanh3A_25, %mul3A_28 : vector<14336xf32>
    %get3A_30 = arith.constant 0 : index
    %get3A_31 = memref.load %arg8[%get3A_30] : memref<1xf32, #tpu.memory_space<smem>>
    %add3A_32 = vector.broadcast %get3A_31 : f32 to vector<14336xf32>
    %add3A_33 = arith.addf %mul3A_29, %add3A_32 : vector<14336xf32>
    %reshape3A = vector.shape_cast %add3A_33 : vector<14336xf32> to vector<112x128xf32>
    %swap3A = arith.constant 0 : index
    %swap3A_34 = arith.constant 0 : index
    %swap3A_35 = vector.load %arg12[%swap3A, %swap3A_34] : memref<112x128xf32, #tpu.memory_space<vmem>>, vector<112x128xf32>
    tpu.vector_store %arg12[%swap3A, %swap3A_34], %reshape3A {strides = array<i32>} : memref<112x128xf32, #tpu.memory_space<vmem>>, vector<112x128xf32>,
    %get3A_36 = arith.constant 0 : index
    %get3A_37 = arith.constant 0 : index
    %get3A_38 = vector.load %arg2[%get3A_36, %get3A_37] : memref<64x14336xf32, #tpu.memory_space<vmem>>, vector<64x14336xf32>
    %get3A_39 = arith.constant 0 : index
    %get3A_40 = arith.constant 0 : index
    %get3A_41 = vector.load %arg4[%get3A_39, %get3A_40] : memref<64x128xf32, #tpu.memory_space<vmem>>, vector<64x128xf32>
    %dot_general3A_42 = arith.constant dense<0.000000e+00> : vector<128x14336xf32>
    %dot_general3A_43 = tpu.matmul %get3A_41, %get3A_38, %dot_general3A_42 {dimension_numbers = #tpu.dot_dimension_numbers<[0], [0], [1], [1], [0, 1, 1, 1], [], []>, transpose_lhs_hint = false} : vector<64x128xf32>, vector<64x14336xf32>, vector<128x14336xf32> -> vector<128x14336xf32>
    %add3A_44 = vector.broadcast %get3A_7 : vector<128x1xf32> to vector<128x14336xf32>
    %add3A_45 = arith.addf %dot_general3A_43, %add3A_44 : vector<128x14336xf32>
    %tanh3A_46 = math.tanh %add3A_45 : vector<128x14336xf32>
    %mul3A_47 = vector.broadcast %get3A_10 : vector<128x1xf32> to vector<128x14336xf32>
    %mul3A_48 = arith.mulf %tanh3A_46, %mul3A_47 : vector<128x14336xf32>
    %reduce_sum3A_49 = arith.constant dense<0.000000e+00> : vector<14336xf32>
    %reduce_sum3A_50 = vector.multi_reduction <add>, %mul3A_48, %reduce_sum3A_49 [0] : vector<128x14336xf32> to vector<14336xf32>
    %get3A_51 = arith.constant 0 : index
    %get3A_52 = memref.load %arg9[%get3A_51] : memref<1xf32, #tpu.memory_space<smem>>
    %add3A_53 = vector.broadcast %get3A_52 : f32 to vector<14336xf32>
    %add3A_54 = arith.addf %reduce_sum3A_50, %add3A_53 : vector<14336xf32>
    %tanh3A_55 = math.tanh %add3A_54 : vector<14336xf32>
    %get3A_56 = arith.constant 0 : index
    %get3A_57 = memref.load %arg10[%get3A_56] : memref<1xf32, #tpu.memory_space<smem>>
    %mul3A_58 = vector.broadcast %get3A_57 : f32 to vector<14336xf32>
    %mul3A_59 = arith.mulf %tanh3A_55, %mul3A_58 : vector<14336xf32>
    %get3A_60 = arith.constant 0 : index
    %get3A_61 = memref.load %arg11[%get3A_60] : memref<1xf32, #tpu.memory_space<smem>>
    %add3A_62 = vector.broadcast %get3A_61 : f32 to vector<14336xf32>
    %add3A_63 = arith.addf %mul3A_59, %add3A_62 : vector<14336xf32>
    %reshape3A_64 = vector.shape_cast %add3A_63 : vector<14336xf32> to vector<112x128xf32>
    %swap3A_65 = arith.constant 0 : index
    %swap3A_66 = arith.constant 0 : index
    %swap3A_67 = vector.load %arg13[%swap3A_65, %swap3A_66] : memref<112x128xf32, #tpu.memory_space<vmem>>, vector<112x128xf32>
    tpu.vector_store %arg13[%swap3A_65, %swap3A_66], %reshape3A_64 {strides = array<i32>} : memref<112x128xf32, #tpu.memory_space<vmem>>, vector<112x128xf32>,
    return
  }
  func.func @transform_0(%arg0: i32) -> (i32, i32) {
    %c0_i32 = arith.constant 0 : i32
    %c0_i32_0 = arith.constant 0 : i32
    return %c0_i32, %arg0 : i32, i32
  }
  func.func @transform_1(%arg0: i32) -> (i32, i32) {
    %c0_i32 = arith.constant 0 : i32
    %c0_i32_0 = arith.constant 0 : i32
    return %c0_i32, %arg0 : i32, i32
  }
  func.func @transform_2(%arg0: i32) -> (i32, i32) {
    %c0_i32 = arith.constant 0 : i32
    %c0_i32_0 = arith.constant 0 : i32
    %c0_i32_1 = arith.constant 0 : i32
    return %c0_i32, %c0_i32_0 : i32, i32
  }
  func.func @transform_3(%arg0: i32) -> (i32, i32) {
    %c0_i32 = arith.constant 0 : i32
    %c0_i32_0 = arith.constant 0 : i32
    %c0_i32_1 = arith.constant 0 : i32
    return %c0_i32, %c0_i32_0 : i32, i32
  }
  func.func @transform_4(%arg0: i32) -> (i32, i32) {
    %c0_i32 = arith.constant 0 : i32
    %c0_i32_0 = arith.constant 0 : i32
    %c0_i32_1 = arith.constant 0 : i32
    return %c0_i32, %c0_i32_0 : i32, i32
  }
  func.func @transform_5(%arg0: i32) -> i32 {
    %c0_i32 = arith.constant 0 : i32
    %c0_i32_0 = arith.constant 0 : i32
    return %c0_i32 : i32
  }
  func.func @transform_6(%arg0: i32) -> i32 {
    %c0_i32 = arith.constant 0 : i32
    %c0_i32_0 = arith.constant 0 : i32
    return %c0_i32 : i32
  }
  func.func @transform_7(%arg0: i32) -> i32 {
    %c0_i32 = arith.constant 0 : i32
    %c0_i32_0 = arith.constant 0 : i32
    return %c0_i32 : i32
  }
  func.func @transform_8(%arg0: i32) -> i32 {
    %c0_i32 = arith.constant 0 : i32
    %c0_i32_0 = arith.constant 0 : i32
    return %c0_i32 : i32
  }
  func.func @transform_9(%arg0: i32) -> i32 {
    %c0_i32 = arith.constant 0 : i32
    %c0_i32_0 = arith.constant 0 : i32
    return %c0_i32 : i32
  }
  func.func @transform_10(%arg0: i32) -> i32 {
    %c0_i32 = arith.constant 0 : i32
    %c0_i32_0 = arith.constant 0 : i32
    return %c0_i32 : i32
  }
  func.func @transform_11(%arg0: i32) -> (i32, i32) {
    %c0_i32 = arith.constant 0 : i32
    %c0_i32_0 = arith.constant 0 : i32
    return %arg0, %c0_i32 : i32, i32
  }
  func.func @transform_12(%arg0: i32) -> (i32, i32) {
    %c0_i32 = arith.constant 0 : i32
    %c0_i32_0 = arith.constant 0 : i32
    return %arg0, %c0_i32 : i32, i32
  }
}

module attributes {stable_mosaic.version = 14 : i64} {
  func.func @_softmax_body(%arg0: i32, %arg1: memref<1xf32, #tpu.memory_space<smem>>, %arg2: memref<1xf32, #tpu.memory_space<smem>>, %arg3: memref<50x512xf32, #tpu.memory_space<vmem>>, %arg4: memref<50x512xf32, #tpu.memory_space<vmem>>, %arg5: memref<50x512xf32, #tpu.memory_space<vmem>>) attributes {dimension_semantics = [#tpu.dimension_semantics<arbitrary>], iteration_bounds = array<i64: 8>, scalar_prefetch = 0 : i64, scratch_operands = 0 : i64, tpu.core_type = #tpu.core_type<tc>, window_params = [{transform_indices = @transform_0, window_bounds = array<i64: 1>}, {transform_indices = @transform_1, window_bounds = array<i64: 1>}, {transform_indices = @transform_2, window_bounds = array<i64: 50, 512>}, {transform_indices = @transform_3, window_bounds = array<i64: 50, 512>}, {transform_indices = @transform_4, window_bounds = array<i64: 50, 512>}]} {
    %get3A = arith.constant 0 : index
    %get3A_0 = arith.constant 0 : index
    %get3A_1 = vector.load %arg3[%get3A, %get3A_0] : memref<50x512xf32, #tpu.memory_space<vmem>>, vector<50x512xf32>
    %get3A_2 = arith.constant 0 : index
    %get3A_3 = arith.constant 0 : index
    %get3A_4 = vector.load %arg4[%get3A_2, %get3A_3] : memref<50x512xf32, #tpu.memory_space<vmem>>, vector<50x512xf32>
    %sub3A = arith.subf %get3A_1, %get3A_4 : vector<50x512xf32>
    %get3A_5 = arith.constant 0 : index
    %get3A_6 = memref.load %arg1[%get3A_5] : memref<1xf32, #tpu.memory_space<smem>>
    %mul3A = vector.broadcast %get3A_6 : f32 to vector<50x512xf32>
    %mul3A_7 = arith.mulf %sub3A, %mul3A : vector<50x512xf32>
    %get3A_8 = arith.constant 0 : index
    %get3A_9 = memref.load %arg2[%get3A_8] : memref<1xf32, #tpu.memory_space<smem>>
    %add3A = vector.broadcast %get3A_9 : f32 to vector<50x512xf32>
    %add3A_10 = arith.addf %mul3A_7, %add3A : vector<50x512xf32>
    %reduce_max3A = arith.constant dense<0xFF800000> : vector<512xf32>
    %reduce_max3A_11 = vector.multi_reduction <maximumf>, %add3A_10, %reduce_max3A [0] : vector<50x512xf32> to vector<512xf32>
    %broadcast_in_dim3A = vector.shape_cast %reduce_max3A_11 : vector<512xf32> to vector<1x512xf32>
    %sub3A_12 = vector.broadcast %broadcast_in_dim3A : vector<1x512xf32> to vector<50x512xf32>
    %sub3A_13 = arith.subf %add3A_10, %sub3A_12 : vector<50x512xf32>
    %exp3A = math.exp %sub3A_13 : vector<50x512xf32>
    %reduce_sum3A = arith.constant dense<0.000000e+00> : vector<512xf32>
    %reduce_sum3A_14 = vector.multi_reduction <add>, %exp3A, %reduce_sum3A [0] : vector<50x512xf32> to vector<512xf32>
    %broadcast_in_dim3A_15 = vector.shape_cast %reduce_sum3A_14 : vector<512xf32> to vector<1x512xf32>
    %div3A = vector.broadcast %broadcast_in_dim3A_15 : vector<1x512xf32> to vector<50x512xf32>
    %div3A_16 = arith.divf %exp3A, %div3A : vector<50x512xf32>
    %swap3A = arith.constant 0 : index
    %swap3A_17 = arith.constant 0 : index
    %swap3A_18 = vector.load %arg5[%swap3A, %swap3A_17] : memref<50x512xf32, #tpu.memory_space<vmem>>, vector<50x512xf32>
    tpu.vector_store %arg5[%swap3A, %swap3A_17], %div3A_16 {strides = array<i32>} : memref<50x512xf32, #tpu.memory_space<vmem>>, vector<50x512xf32>,
    return
  }
  func.func @transform_0(%arg0: i32) -> i32 {
    %c0_i32 = arith.constant 0 : i32
    %c0_i32_0 = arith.constant 0 : i32
    return %c0_i32 : i32
  }
  func.func @transform_1(%arg0: i32) -> i32 {
    %c0_i32 = arith.constant 0 : i32
    %c0_i32_0 = arith.constant 0 : i32
    return %c0_i32 : i32
  }
  func.func @transform_2(%arg0: i32) -> (i32, i32) {
    %c0_i32 = arith.constant 0 : i32
    %c0_i32_0 = arith.constant 0 : i32
    return %c0_i32, %arg0 : i32, i32
  }
  func.func @transform_3(%arg0: i32) -> (i32, i32) {
    %c0_i32 = arith.constant 0 : i32
    %c0_i32_0 = arith.constant 0 : i32
    return %c0_i32, %arg0 : i32, i32
  }
  func.func @transform_4(%arg0: i32) -> (i32, i32) {
    %c0_i32 = arith.constant 0 : i32
    %c0_i32_0 = arith.constant 0 : i32
    return %c0_i32, %arg0 : i32, i32
  }
}

</mosaic_0001>

<sc_bundles>
// kernel: kernel.5.cloned.1.call-start
scs
__scs_entry_jumppad:
0x0: {  	(pc) =	sbr.rel $0x88, $3  }
0x1: {  	(tag) =	ssettag $0x0;
	lr =	simm.s32 $0x1  }
0x2: {  	[smem:$0x3F8F] =	sst lr;
	_ =	strace $0xD0000000  }
0x3: {  	_ = 	snop  }
0x4: {  	_ = 	snop  }
0x5: {  	_ = 	snop  }
0x6: {  	_ = 	snop  }
0x7: {  	_ = 	snop  }
__scs_overlays_trampoline_lowered:
0x8: {  	[smem:$0x3F9E] =	sst s0  }
0x9: {  	[smem:$0x3F9F] =	sst s1  }
0xa: {  	[smem:$0x3FA0] =	sst s2  }
0xb: {  	[smem:$0x3FA1] =	sst s3  }
0xc: {  	[smem:$0x3FA2] =	sst s4  }
0xd: {  	[smem:$0x3FA3] =	sst s5  }
0xe: {  	[smem:$0x3FA4] =	sst s6  }
0xf: {  	[smem:$0x3FA5] =	sst s7  }
0x10: {  	[smem:$0x3FA6] =	sst s8  }
0x11: {  	[smem:$0x3FA7] =	sst s9;
	s0 =	simm.s32 @!p0 $0x0  }
0x12: {  	s1 =	sld [smem:$0x3F8D];
	s0 =	simm.s32 @p0 $0x1  }
0x13: {  	[smem:$0x3FA8] =	sst s0;
	s0 =	simm.s32 @!p1 $0x0  }
0x14: {  	s2 =	sld [smem:$0x3F8C];
	s0 =	simm.s32 @p1 $0x1  }
0x15: {  	[smem:$0x3FA9] =	sst s0;
	s0 =	simm.s32 @!p2 $0x0  }
0x16: {  	s3 =	sld [smem:$0x3FDB];
	s0 =	simm.s32 @p2 $0x1  }
0x17: {  	s4 =	simm.s32 $0x1BF5;
	[smem:$0x3FAB] =	sst s0  }
0x18: {  	s0 =	sld [smem:$0x3F8E];
	_ =	swait.ge [sflag:s4], $0x0  }
0x19: {  	s7 =	sld [smem:$0x3F8F]  }
0x1a: {  	s8 =	sadd.s32 $0xFFFFE003, lr  }
0x1b: {  	s9 =	sadd.s32 $0xFFFFFEF7, lr;
	s5 =	simm.s32 $0xFFFFFFFF;
	p2 =	slt.u32 s8, $0xFFFFF086  }
0x1c: {  	p1 =	slt.u32 s9, $0xF7A;
	s5 =	simm.s32 @!p2 $0x0  }
0x1d: {  	s5 =	simm.s32 @p1 $0x1;
	p0 =	seq.s32 s7, s2  }
0x1e: {  	s7 =	smul.u32 @!p0 $0xF7A, s2;
	p2 =	seq.s32 @!p0 s5, $0x0  }
0x1f: {  	s9 =	smul.u32 $0xF7A, s1;
	s8 =	simm.s32 @!p0 $0x1BF5;
	p2 =	por !p2, p0  }
0x20: {  	[sflag:s8] =	ssyncset.s32 @!p0 $0xFFFFF086;
	s6 =	sadd.s32 @!p0 s3, s7;
	s7 =	simm.s32 @!p0 $0x108  }
0x21: {  	s3 =	sadd.s32 s3, s9;
	s6 =	sadd.s32 @!p0 $0x88, s6;
	s7 =	simm.s32 @p2 $0x1082  }
0x22: {  	[simem:s7], [sflag:s8] =	dma.local @!p0 [hbm:s6], $0xF7A  }
0x23: {  	s9 =	sor.u32 $0xD0000000, s2;
	s6 =	simm.s32 $0x108;
	_ =	swait.ge @!p0 [sflag:s8], $0x0  }
0x24: {  	s3 =	sadd.s32 $0x88, s3;
	s6 =	simm.s32 @!p1 $0x1082;
	[sflag:s4] =	ssyncset.s32 $0xFFFFF086  }
0x25: {  	[simem:s6], [sflag:s4] =	dma.local [hbm:s3], $0xF7A  }
0x26: {  	[smem:$0x3F8F] =	sst s1;
	(tag) =	ssettag s2;
	_ =	strace s9  }
0x27: {  	s1 =	sld [smem:$0x3F9F]  }
0x28: {  	s2 =	sld [smem:$0x3FA0]  }
0x29: {  	s4 =	sld [smem:$0x3FA2]  }
0x2a: {  	p0 =	seq.s32 s5, $0x0;
	s5 =	sld [smem:$0x3FA3]  }
0x2b: {  	s6 =	sld [smem:$0x3FA4]  }
0x2c: {  	s7 =	sld [smem:$0x3FA5]  }
0x2d: {  	s3 =	simm.s32 $0x108;
	s8 =	sld [smem:$0x3FA6]  }
0x2e: {  	s3 =	simm.s32 @!p0 $0x1082;
	s9 =	sld [smem:$0x3FA7]  }
0x2f: {  	lr =	sadd.s32 s0, s3;
	s0 =	sld [smem:$0x3F9E]  }
0x30: {  	s3 =	sld [smem:$0x3FA1]  }
0x31: {  	[smem:$0x3FAA] =	sst s10  }
0x32: {  	s10 =	sld [smem:$0x3FA8];
	_ =	sdelay $0x3  }
0x33: {  	p0 =	seq.s32 s10, $0x1;
	s10 =	sld [smem:$0x3FAA];
	_ =	sdelay $0x3  }
0x34: {  	[smem:$0x3FAA] =	sst s10  }
0x35: {  	s10 =	sld [smem:$0x3FA9];
	_ =	sdelay $0x3  }
0x36: {  	p1 =	seq.s32 s10, $0x1;
	s10 =	sld [smem:$0x3FAA];
	_ =	sdelay $0x3  }
0x37: {  	[smem:$0x3FAA] =	sst s10  }
0x38: {  	s10 =	sld [smem:$0x3FAB]  }
0x39: {  	_ = 	snop;
	(pc) =	sbr.ind lr, $3  }
0x3a: {  	_ = 	snop  }
0x3b: {  	_ = 	snop  }
0x3c: {  	p2 =	seq.s32 s10, $0x1;
	s10 =	sld [smem:$0x3FAA]  }
0x3d: {  	_ =	shalt  }
0x3e: {  	_ =	shalt  }
0x3f: {  	_ =	shalt  }
0x40: {  	_ =	shalt  }
0x41: {  	_ =	shalt  }
0x42: {  	_ =	shalt  }
0x43: {  	_ =	shalt  }
0x44: {  	_ =	shalt  }
0x45: {  	_ =	shalt  }
0x46: {  	_ =	shalt  }
0x47: {  	_ =	shalt  }
0x48: {  	_ =	shalt  }
0x49: {  	_ =	shalt  }
0x4a: {  	_ =	shalt  }
0x4b: {  	_ =	shalt  }
0x4c: {  	_ =	shalt  }
0x4d: {  	_ =	shalt  }
0x4e: {  	_ =	shalt  }
0x4f: {  	_ =	shalt  }
0x50: {  	_ =	shalt  }
0x51: {  	_ =	shalt  }
0x52: {  	_ =	shalt  }
0x53: {  	_ =	shalt  }
0x54: {  	_ =	shalt  }
0x55: {  	_ =	shalt  }
0x56: {  	_ =	shalt  }
0x57: {  	_ =	shalt  }
0x58: {  	_ =	shalt  }
0x59: {  	_ =	shalt  }
0x5a: {  	_ =	shalt  }
0x5b: {  	_ =	shalt  }
0x5c: {  	_ =	shalt  }
0x5d: {  	_ =	shalt  }
0x5e: {  	_ =	shalt  }
0x5f: {  	_ =	shalt  }
0x60: {  	_ =	shalt  }
0x61: {  	_ =	shalt  }
0x62: {  	_ =	shalt  }
0x63: {  	_ =	shalt  }
0x64: {  	_ =	shalt  }
0x65: {  	_ =	shalt  }
0x66: {  	_ =	shalt  }
0x67: {  	_ =	shalt  }
0x68: {  	_ =	shalt  }
0x69: {  	_ =	shalt  }
0x6a: {  	_ =	shalt  }
0x6b: {  	_ =	shalt  }
0x6c: {  	_ =	shalt  }
0x6d: {  	_ =	shalt  }
0x6e: {  	_ =	shalt  }
0x6f: {  	_ =	shalt  }
0x70: {  	_ =	shalt  }
0x71: {  	_ =	shalt  }
0x72: {  	_ =	shalt  }
0x73: {  	_ =	shalt  }
0x74: {  	_ =	shalt  }
0x75: {  	_ =	shalt  }
0x76: {  	_ =	shalt  }
0x77: {  	_ =	shalt  }
0x78: {  	_ =	shalt  }
0x79: {  	_ =	shalt  }
0x7a: {  	_ =	shalt  }
0x7b: {  	_ =	shalt  }
0x7c: {  	_ =	shalt  }
0x7d: {  	_ =	shalt  }
0x7e: {  	_ =	shalt  }
0x7f: {  	_ =	shalt  }
0x80: {  	_ =	shalt  }
0x81: {  	_ =	shalt  }
0x82: {  	_ =	shalt  }
0x83: {  	_ =	shalt  }
0x84: {  	_ =	shalt  }
0x85: {  	_ =	shalt  }
0x86: {  	_ =	shalt  }
0x87: {  	_ =	shalt  }
.Lfunc_end0:
.L_simem_size_0:
called_computation_lowered:
.L_overlay_start_0:
0x88: {  	s2 =	sld [smem:$0x3FD9]  }
0x89: {  	s3 =	sld [smem:$0x3FFE];
	_ =	sdelay $0x1  }
0x8a: {  	s1 =	srdreg.scid  }
0x8b: {  	s0 =	sand.u32 $0x1, s1  }
0x8c: {  	s17 =	sshll.u32 s0, $0xA;
	s2 =	sadd.s32 s3, s2  }
0x8d: {  	s2 =	sadd.s32 s2, s17  }
0x8e: {  	[smem:$0x3FB6] =	sst s2  }
0x8f: {  	_ = 	snop  }
0x90: {  	s2 =	sld [smem:$0x3FC9]  }
0x91: {  	s18 =	sld [smem:$0x3FD0];
	(tm) =	ssettm $0x1  }
0x92: {  	s4 =	sld [smem:$0x3FFB];
	_ =	sdelay $0x3  }
0x93: {  	_ =	strace s4  }
0x94: {  	s4 =	sld [smem:$0x3FFC];
	_ =	sdelay $0x3  }
0x95: {  	_ =	strace s4  }
0x96: {  	s4 =	sld [smem:$0x3FFD];
	_ =	sdelay $0x3  }
0x97: {  	_ =	strace s4  }
0x98: {  	_ =	strace $0x8FFFFFFF  }
0x99: {  	s19 =	sld [smem:$0x3FDB];
	_ =	sdelay $0x1  }
0x9a: {  	s5 =	simm.s32 $_scs_section_size  }
0x9b: {  	s6 =	simm.s32 $_size__tile_overlayer_lowered;
	s7 =	simm.s32 $_tile_overlayer_lowered  }
0x9c: {  	s22 =	simm.s32 $0x1BFF;
	s21 =	sshll.u32 s7, $0x1;
	s4 =	sadd.s32 s5, s19  }
0x9d: {  	s8 =	simm.s32 $0x0;
	s20 =	sshll.u32 s6, $0x1;
	s6 =	sadd.s32 s21, s4  }
0x9e: {  	[timem:s8], [sflag:s22] =	dma.local [hbm:s6], s20  }
0x9f: {  	_ =	swait.ge [sflag:s22], s20  }
0xa0: {  	s5 =	ssub.s32 $0x0, s20;
	[sflag:s22] =	ssyncset.done $0x0  }
0xa1: {  	[sflag:s22] =	ssyncadd.s32 s5;
	_ =	sdelay $0x1  }
0xa2: {  	s23 =	simm.s32 $0x1B8B  }
0xa3: {  	_ =	swait.ge [sflag:s23], $0x1  }
0xa4: {  	[sflag:s23] =	ssyncset.done $0x0  }
0xa5: {  	s25 =	simm.s32 $0x1B8E;
	s24 =	sld [smem:$0x3FFE];
	[sflag:s23] =	ssyncadd.s32 $0xFFFFFFFF  }
0xa6: {  	s26 =	simm.s32 $execute0_lowered;
	[smem:$0x3FD2] =	sst s25  }
0xa7: {  	s6 =	sshll.u32 s26, $0x1;
	_ =	strace $0x80000046;
	[dreg:$0x1] =	wrdreg $0xFFFFFFFF  }
0xa8: {  	s28 =	simm.s32 $_size_execute0_lowered;
	s4 =	sadd.s32 s4, s6;
	[dreg:$0x0] =	wrdreg $0x0  }
0xa9: {  	s6 =	sshll.u32 s28, $0x1;
	[dreg:$0x2] =	wrdreg s4  }
0xaa: {  	[dreg:$0x3] =	wrdreg s6  }
0xab: {  	[dreg:$0x4] =	wrdreg $0xC0  }
0xac: {  	_ =	task [dreg:s8], $0x5FFFF  }
0xad: {  	[dreg:$0x1] =	wrdreg $0xFFFFFFFF  }
0xae: {  	[dreg:$0x0] =	wrdreg $0x60  }
0xaf: {  	[dreg:$0x2] =	wrdreg s24  }
0xb0: {  	[dreg:$0x3] =	wrdreg s2  }
0xb1: {  	[dreg:$0x4] =	wrdreg s18  }
0xb2: {  	[dreg:$0x5] =	wrdreg $0x9  }
0xb3: {  	_ =	task.clear_ibuf [dreg:s8], $0x6FFFF;
	_ =	strace $0x90000046  }
0xb4: {  	s29 =	simm.s32 $0x9;
	_ =	strace $0x80000048  }
0xb5: {  	_ =	swait.ge [sflag:s29], $0x1  }
0xb6: {  	[sflag:s29] =	ssyncadd.s32 $0xFFFFFFFF  }
0xb7: {  	_ =	strace $0x90000048  }
0xb8: {  	_ =	sfence  }
0xb9: {  	s30 =	sld [smem:$0x0];
	_ =	sdelay $0x2  }
0xba: {  	s31 =	sshll.u32 s1, $0xD;
	s1 =	sshrl.u32 s1, $0x2  }
0xbb: {  	s3 =	sand.u32 $0x4000, s31;
	s1 =	sadd.s32 s1, s30  }
0xbc: {  	s0 =	sor.u32 s3, s0;
	s1 =	sshll.u32 s1, $0x11  }
0xbd: {  	s0 =	sor.u32 s1, s0  }
0xbe: {  	s0 =	sadd.s32 $0x8F2B, s0  }
0xbf: {  	[sflag:s0] =	ssyncadd.remote.s32 $0x1  }
0xc0: {  	_ =	sfence.sel $0xFFFF  }
0xc1: {  	[dreg:$0x0] =	wrdreg $0xFFFFFFFF;
	(pc) =	sbr.abs _section_cstart, $3  }
0xc2: {  	[dreg:$0x1] =	wrdreg $0xFFFFFFFF  }
0xc3: {  	_ =	task.clear_ibuf [dreg:s8], $0x2FFFF;
	_ =	strace $0x9FFFFFFF  }
0xc4: {  	(tm) =	ssettm $0x7FFFFFFF  }
0xc5: {  	_ =	shalt  }
tec
execute0_lowered:
.L_overlay_start_1:
0x0: {  	(tag) =	ssettag $0x1  }
0x1: {  	s5 =	rddreg [dreg:$0x0]  }
0x2: {  	s6 =	rddreg [dreg:$0x1]  }
0x3: {  	s7 =	rddreg [dreg:$0x2]  }
0x4: {  	s0 =	rddreg [dreg:$0x3];
	s1 =	simm.s32 $0x0  }
0x5: {  	s4 =	srdreg.scid;
	s2 =	stileid.u32;
	s12 =	simm.s32 $0x8000  }
0x6: {  	s13 =	simm.s32 $0x1800;
	s14 =	simm.s32 $0x3;
	s15 =	simm.s32 $0x1C00  }
0x7: {  	s17 =	simm.s32 $0x3400;
	s18 =	simm.s32 $0x80;
	s19 =	simm.s32 $0x1  }
0x8: {  	s20 =	simm.s32 $0x2;
	s21 =	simm.s32 $0x3800;
	s23 =	simm.s32 $0x5000  }
0x9: {  	s24 =	simm.s32 $0x5400;
	s25 =	simm.s32 $0x6C00;
	s26 =	simm.s32 $0x0  }
0xa: {  	[smem:$0x7FF] =	sst s1;
	s3 =	sadd.s32 $0x1600, s5;
	s4 =	sand.u32 $0x1, s4  }
0xb: {  	s8 =	sshll.u32 s2, $0x8;
	_ =	strace $0x80000047;
	s9 =	sshll.u32 s4, $0x7  }
0xc: {  	s10 =	ssub.s32 $0x2, s4;
	s4 =	sadd.s32 $0x4800, s5;
	s8 =	sor.u32 s9, s8  }
0xd: {  	s31 =	sshrl.u32 s10, $0x1;
	s11 =	sadd.s32 s8, s5;
	s5 =	sadd.s32 s6, s8  }
0xe: {  	s10 =	ssub.s32 s10, s31;
	s7 =	sadd.s32 s7, s8;
	s6 =	sadd.s32 $0x6000, s5  }
0xf: {  	s8 =	sadd.s32 $0x7A00, s11;
	s9 =	sadd.s32 $0xEA00, s11;
	s10 =	smax.u32 s10, $0x1  }
0x10: {  	s11 =	simm.s32 $0x400;
	s16 =	sadd.s32 $0x6000, s7;
	s22 =	sadd.s32 $0x6000, s8  }
.LBB2_1:
0x11: {  	[tilespmem:s1], [sflag:$0x3] =	stream.strided.gather [hbm4b:s5+s11], $0x1800, s12, s11, $0x38;
	[tilespmem:$0x7000] =	vst v63  }
0x12: {  	_ = 	snop  }
0x13: {  	[tilespmem:s13], [sflag:$0x3] =	stream.linear.gather [hbm4b:s6+s1], $0x100, $0x38;
	[tilespmem:$0x7000] =	vst v63  }
0x14: {  	_ =	swait.ge [sflag:s14], $0x1900  }
0x15: {  	[sflag:s14] =	ssyncset.done $0x0  }
0x16: {  	[sflag:s14] =	ssyncadd.s32 $0xFFFFE700  }
0x17: {  	[tilespmem:s15], [sflag:$0x3] =	stream.strided.gather [hbm4b:s7+s11], $0x1800, s12, s11, $0x38;
	[tilespmem:$0x7000] =	vst v63  }
0x18: {  	_ = 	snop  }
0x19: {  	[tilespmem:s17], [sflag:$0x3] =	stream.linear.gather [hbm4b:s16+s1], $0x100, $0x38;
	[tilespmem:$0x7000] =	vst v63  }
0x1a: {  	_ =	swait.ge [sflag:s14], $0x1900  }
0x1b: {  	[sflag:s14] =	ssyncset.done $0x0  }
0x1c: {  	s28 =	simm.s32 $0x0;
	s29 =	simm.s32 $0x3800;
	[sflag:s14] =	ssyncadd.s32 $0xFFFFE700  }
0x1d: {  	[tilespmem:s29], [sflag:$0x1] =	stream.indirect.gather [hbm4b:s3+s18], $0x1, s28, s18, $0xb8;
	[tilespmem:$0x7000] =	vst v63  }
0x1e: {  	s30 =	simm.s32 $0x1C00;
	s28 =	simm.s32 $0x200;
	s29 =	simm.s32 $0x5400  }
.LBB2_2:
0x1f: {  	[tilespmem:s29], [sflag:$0x2] =	stream.indirect.gather [hbm4b:s4+s18], $0x1, s30, s18, $0xb8;
	[tilespmem:$0x7000] =	vst v63  }
0x20: {  	s29 =	smov.u32 s28;
	p0 =	sne.s32 s28, $0x6200  }
.Ltmp0:
0x21: {  	s28 =	sadd.s32 $0x200, s28;
	(pc) =	sbr.rel @p0 .LBB2_2-.Ltmp0, $4  }
0x22: {  	s30 =	sshra.s32 s29, $0x2  }
0x23: {  	s29 =	sadd.s32 $0x3800, s30  }
0x24: {  	[tilespmem:s29], [sflag:$0x1] =	stream.indirect.gather [hbm4b:s3+s18], $0x1, s30, s18, $0xb8;
	[tilespmem:$0x7000] =	vst v63  }
0x25: {  	s29 =	sadd.s32 $0x5400, s30;
	s30 =	sadd.s32 $0x1C00, s30  }
0x26: {  	[tilespmem:s29], [sflag:$0x2] =	stream.indirect.gather [hbm4b:s4+s18], $0x1, s30, s18, $0xb8;
	[tilespmem:$0x7000] =	vst v63  }
0x27: {  	_ =	swait.ge [sflag:s19], $0x80  }
0x28: {  	[sflag:s19] =	ssyncset.done $0x0  }
0x29: {  	[sflag:s19] =	ssyncadd.s32 $0xFFFFFF80  }
0x2a: {  	_ =	swait.ge [sflag:s20], $0x80  }
0x2b: {  	s28 =	simm.s32 $0x31;
	[sflag:s20] =	ssyncset.done $0x0  }
.LBB2_4:
0x2c: {  	p0 =	sne.s32 s28, $0x1;
	s28 =	sadd.s32 $0xFFFFFFFF, s28;
	[sflag:s20] =	ssyncadd.s32 $0xFFFFFF80  }
.Ltmp1:
0x2d: {  	_ =	swait.ge [sflag:s19], $0x80;
	(pc) =	sbr.rel @p0 .LBB2_4-.Ltmp1, $4  }
0x2e: {  	[sflag:s19] =	ssyncset.done $0x0  }
0x2f: {  	[sflag:s19] =	ssyncadd.s32 $0xFFFFFF80  }
0x30: {  	_ =	swait.ge [sflag:s20], $0x80  }
0x31: {  	[sflag:s20] =	ssyncset.done $0x0  }
0x32: {  	[sflag:s20] =	ssyncadd.s32 $0xFFFFFF80  }
0x33: {  	[hbm4b:s8+s11] =	stream.strided.scatter [tilespmem:s21], [sflag:$0x3], $0x1800, s12, s11, $0x38;
	[tilespmem:$0x7000] =	vst v63  }
0x34: {  	_ = 	snop  }
0x35: {  	[hbm4b:s22+s1] =	stream.linear.scatter [tilespmem:s23], [sflag:$0x3], $0x100, $0x38;
	[tilespmem:$0x7000] =	vst v63  }
0x36: {  	_ =	swait.ge [sflag:s14], $0x1900  }
0x37: {  	s26 =	sadd.s32 $0x1, s26;
	[sflag:s14] =	ssyncset.done $0x0  }
0x38: {  	p0 =	sne.s32 s26, s10;
	[sflag:s14] =	ssyncadd.s32 $0xFFFFE700  }
0x39: {  	[hbm4b:s9+s11] =	stream.strided.scatter [tilespmem:s24], [sflag:$0x3], $0x1800, s12, s11, $0x38;
	[tilespmem:$0x7000] =	vst v63  }
.Ltmp2:
0x3a: {  	s28 =	sadd.s32 $0x6000, s9;
	(pc) =	sbr.rel @p0 .LBB2_1-.Ltmp2, $4  }
0x3b: {  	[hbm4b:s28+s1] =	stream.linear.scatter [tilespmem:s25], [sflag:$0x3], $0x100, $0x38;
	[tilespmem:$0x7000] =	vst v63  }
0x3c: {  	_ =	swait.ge [sflag:s14], $0x1900  }
0x3d: {  	[sflag:s14] =	ssyncset.done $0x0  }
0x3e: {  	[sflag:s14] =	ssyncadd.s32 $0xFFFFE700  }
0x3f: {  	_ =	sfence.sel $0x180000  }
0x40: {  	[bflag:$0x0] =	sbarrier.arrive $0xFFFF  }
0x41: {  	p0 =	sne.s32 s2, $0x0;
	_ =	strace $0x90000047  }
0x42: {  	s0 =	sadd.s32 @!p0 $0x100000, s0;
	[bflag:$0x2] =	sbarrier.arrive $0xFFFF  }
0x43: {  	[sflag:s0] =	ssyncadd.tile.s32 @!p0 $0x1;
	_ =	shalt  }
.Lfunc_end2:
_tile_overlayer_lowered:
.L_overlay_start_2:
0x44: {  	(tag) =	ssettag $0x2  }
0x45: {  	s0 =	rddreg [dreg:$0x0];
	s2 =	stileid.u32  }
0x46: {  	s1 =	rddreg [dreg:$0x1];
	p0 =	sne.s32 s2, $0x0  }
0x47: {  	s3 =	rddreg [dreg:$0x2];
	[bflag:$0x3] =	sbarrier.arrive $0xFFFF;
	s2 =	simm.s32 @!p0 $0x1C03  }
0x48: {  	[timem:s3], [sflag:s2] =	dma.local @!p0 [hbm:s0], s1  }
0x49: {  	s0 =	simm.s32 @!p0 $0x3  }
0x4a: {  	_ =	swait.ge @!p0 [sflag:s0], s1  }
0x4b: {  	s1 =	ssub.s32 @!p0 $0x0, s1;
	[sflag:s0] =	ssyncset.done @!p0 $0x0  }
0x4c: {  	[sflag:s0] =	ssyncadd.s32 @!p0 s1  }
0x4d: {  	[bflag:$0x3] =	sbarrier.arrive $0xFFFF  }
0x4e: {  	_ =	shalt  }

</sc_bundles>
